<compile_context>
chip_gen: v7x
topology: tpu7x:2x2x1
jax: 0.10.2.dev20260603
libtpu: 0.0.44.dev20260713+nightly
codegen_flags: <defaults>
</compile_context>

<pallas_src>
import functools

import jax
import jax.numpy as jnp
from jax import lax
from jax.experimental import pallas as pl
from jax.experimental.pallas import tpu as pltpu
from jax.experimental.pallas import tpu_sc as plsc

B = 4
N = 10000
E = 320000
DIN = 128
DOUT = 128

NPAD = 10240
ROWS_PER_TILE = NPAD // 16
CHUNK = 128
LCHUNK = 128
NB = 2
EPT = 20480
NCHUNKS = EPT // LCHUNK
E_PAD = EPT * 16
DEG_CHUNKS = E_PAD // 32 // CHUNK

@functools.cache
def _mesh():
    return plsc.VectorSubcoreMesh(core_axis_name="c", subcore_axis_name="s")


def _sc_deg_body(dsts, ones_pat, zeros_slab, deg_out, dst_v, ones_v, deg_sh,
                 sem):
    c = lax.axis_index("c")
    s = lax.axis_index("s")
    pltpu.sync_copy(dsts.at[c].at[s], dst_v)
    pltpu.sync_copy(ones_pat, ones_v)
    pltpu.sync_copy(
        zeros_slab, deg_sh.at[pl.ds(s * ROWS_PER_TILE, ROWS_PER_TILE)])
    plsc.subcore_barrier()

    @pl.loop(0, DEG_CHUNKS)
    def _(j):
        pltpu.sync_copy(ones_v, deg_sh.at[dst_v.at[j]], add=True)

    plsc.subcore_barrier()
    pltpu.sync_copy(
        deg_sh.at[pl.ds(s * ROWS_PER_TILE, ROWS_PER_TILE)],
        deg_out.at[c].at[pl.ds(s * ROWS_PER_TILE, ROWS_PER_TILE)],
    )


@jax.jit
def _sc_deg(dsts32, ones_pat, zeros_slab):
    return pl.kernel(
        _sc_deg_body,
        out_type=jax.ShapeDtypeStruct((2, NPAD, DIN), jnp.float32),
        mesh=_mesh(),
        scratch_types=[
            pltpu.VMEM((DEG_CHUNKS, CHUNK), jnp.int32),
            pltpu.VMEM((CHUNK, DIN), jnp.float32),
            pltpu.VMEM_SHARED((NPAD, DIN), jnp.float32),
            pltpu.SemaphoreType.DMA,
        ],
    )(dsts32, ones_pat, zeros_slab)


def _lap_batch(table, edges, agg_out, b, s, ibufs, bufs, agg_sh,
               semi, semg, semsc):
    row0 = s * ROWS_PER_TILE
    tab = table.at[b]
    eds = edges.at[s]

    def wait_idx(k):
        pltpu.make_async_copy(eds.at[0], ibufs[k], semi[k]).wait()

    def fire_gather(k):
        pltpu.async_copy(tab.at[ibufs[k].at[0]], bufs[k], semg[k])

    def wait_gather(k):
        pltpu.make_async_copy(tab.at[ibufs[k].at[0]], bufs[k], semg[k]).wait()

    def sync_scatter(k):
        pltpu.sync_copy(bufs[k], agg_sh.at[ibufs[k].at[1]], add=True)

    pltpu.async_copy(eds.at[0], ibufs[0], semi[0])
    pltpu.async_copy(eds.at[1], ibufs[1], semi[1])
    wait_idx(0)
    fire_gather(0)

    @pl.loop(0, NCHUNKS // 2)
    def _(i):
        j0 = 2 * i
        wait_idx(1)
        fire_gather(1)
        wait_gather(0)
        sync_scatter(0)

        @pl.when(j0 + 2 < NCHUNKS)
        def _():
            pltpu.async_copy(eds.at[j0 + 2], ibufs[0], semi[0])
            wait_idx(0)
            fire_gather(0)

        wait_gather(1)
        sync_scatter(1)

        @pl.when(j0 + 3 < NCHUNKS)
        def _():
            pltpu.async_copy(eds.at[j0 + 3], ibufs[1], semi[1])

    plsc.subcore_barrier()
    pltpu.sync_copy(
        agg_sh.at[pl.ds(row0, ROWS_PER_TILE)],
        agg_out.at[b].at[pl.ds(row0, ROWS_PER_TILE)],
    )
    plsc.subcore_barrier()


def _lap_zero(zeros_slab, agg_sh, s):
    pltpu.sync_copy(
        zeros_slab, agg_sh.at[pl.ds(s * ROWS_PER_TILE, ROWS_PER_TILE)])
    plsc.subcore_barrier()


def _sc_lap_body(table, edges, zeros_slab, agg_out, ibufs, bufs, agg_sh,
                 semi, semg, semsc):
    c = lax.axis_index("c")
    s = lax.axis_index("s")

    @pl.when(c == 0)
    def _():
        for b in (0, 1):
            _lap_zero(zeros_slab, agg_sh, s)
            _lap_batch(table, edges, agg_out, b, s, ibufs, bufs, agg_sh,
                       semi, semg, semsc)

    @pl.when(c == 1)
    def _():
        for b in (2, 3):
            _lap_zero(zeros_slab, agg_sh, s)
            _lap_batch(table, edges, agg_out, b, s, ibufs, bufs, agg_sh,
                       semi, semg, semsc)


@jax.jit
def _sc_lap(table, edges, zeros_slab):
    return pl.kernel(
        _sc_lap_body,
        out_type=jax.ShapeDtypeStruct((B, NPAD, DIN), jnp.float32),
        mesh=_mesh(),
        scratch_types=[
            [pltpu.VMEM((2, LCHUNK), jnp.int32) for _ in range(NB)],
            [pltpu.VMEM((LCHUNK, DIN), jnp.float32) for _ in range(NB)],
            pltpu.VMEM_SHARED((NPAD, DIN), jnp.float32),
            [pltpu.SemaphoreType.DMA for _ in range(NB)],
            [pltpu.SemaphoreType.DMA for _ in range(NB)],
            [pltpu.SemaphoreType.DMA for _ in range(NB)],
        ],
    )(table, edges, zeros_slab)


_BLK = 1000


def _tc_prescale_body(x_ref, dp_ref, u0_ref, dis_ref):
    deg = dp_ref[0, :, 0] + dp_ref[1, :, 0]
    dis = jnp.where(deg > 0, lax.rsqrt(jnp.maximum(deg, 1.0)), 0.0)
    u0_ref[0] = x_ref[0] * dis[:, None]
    dis_ref[...] = jnp.broadcast_to(dis[:, None], (_BLK, 8))


@jax.jit
def _tc_prescale(x, deg_parts):
    return pl.pallas_call(
        _tc_prescale_body,
        grid=(B, N // _BLK),
        in_specs=[
            pl.BlockSpec((1, _BLK, DIN), lambda b, i: (b, i, 0)),
            pl.BlockSpec((2, _BLK, DIN), lambda b, i: (0, i, 0)),
        ],
        out_specs=[
            pl.BlockSpec((1, _BLK, DIN), lambda b, i: (b, i, 0)),
            pl.BlockSpec((_BLK, 8), lambda b, i: (i, 0)),
        ],
        out_shape=[
            jax.ShapeDtypeStruct((B, N, DIN), jnp.float32),
            jax.ShapeDtypeStruct((N, 8), jnp.float32),
        ],
    )(x, deg_parts)


def _tc_mid_body(agg_ref, dis_ref, u1_ref):
    dis = dis_ref[:, 0:1]
    u1_ref[0] = (-dis * dis) * agg_ref[0]


@jax.jit
def _tc_mid(agg1, dis):
    return pl.pallas_call(
        _tc_mid_body,
        grid=(B, N // _BLK),
        in_specs=[
            pl.BlockSpec((1, _BLK, DIN), lambda b, i: (b, i, 0)),
            pl.BlockSpec((_BLK, 8), lambda b, i: (i, 0)),
        ],
        out_specs=pl.BlockSpec((1, _BLK, DIN), lambda b, i: (b, i, 0)),
        out_shape=jax.ShapeDtypeStruct((B, N, DIN), jnp.float32),
    )(agg1, dis)


def _tc_final_body(x_ref, a1_ref, a2_ref, dis_ref, wc_ref, bc_ref, wl_ref,
                   bl_ref, out_ref):
    dis = dis_ref[:, 0:1]
    t0 = x_ref[0]
    t1 = -dis * a1_ref[0]
    t2 = (-2.0 * dis) * a2_ref[0] - t0
    wc = wc_ref[...]
    h = jnp.dot(t0, wc[0:DIN], preferred_element_type=jnp.float32)
    h += jnp.dot(t1, wc[DIN:2 * DIN], preferred_element_type=jnp.float32)
    h += jnp.dot(t2, wc[2 * DIN:3 * DIN], preferred_element_type=jnp.float32)
    h += bc_ref[...]
    h = jnp.maximum(h, 0.0)
    out = jnp.dot(h, wl_ref[...], preferred_element_type=jnp.float32)
    out_ref[0] = out + bl_ref[...]


@jax.jit
def _tc_final(x, agg1, agg2, dis, W_cheb, b_cheb, W_lin, b_lin):
    return pl.pallas_call(
        _tc_final_body,
        grid=(B, N // _BLK),
        in_specs=[
            pl.BlockSpec((1, _BLK, DIN), lambda b, i: (b, i, 0)),
            pl.BlockSpec((1, _BLK, DIN), lambda b, i: (b, i, 0)),
            pl.BlockSpec((1, _BLK, DIN), lambda b, i: (b, i, 0)),
            pl.BlockSpec((_BLK, 8), lambda b, i: (i, 0)),
            pl.BlockSpec((3 * DIN, DOUT), lambda b, i: (0, 0)),
            pl.BlockSpec((1, DOUT), lambda b, i: (0, 0)),
            pl.BlockSpec((DOUT, DIN), lambda b, i: (0, 0)),
            pl.BlockSpec((1, DIN), lambda b, i: (0, 0)),
        ],
        out_specs=pl.BlockSpec((1, _BLK, DIN), lambda b, i: (b, i, 0)),
        out_shape=jax.ShapeDtypeStruct((B, N, DIN), jnp.float32),
    )(x, agg1, agg2, dis, W_cheb, b_cheb.reshape(1, DOUT), W_lin,
      b_lin.reshape(1, DIN))


@jax.jit
def kernel(x, edge_index, W_cheb, b_cheb, W_lin, b_lin):
    src = edge_index[0]
    dst = edge_index[1]
    pad = E_PAD - E
    src_p = jnp.concatenate([src, jnp.zeros((pad,), jnp.int32)])
    dst_p = jnp.concatenate([dst, jnp.full((pad,), N, jnp.int32)])
    srcs = src_p.reshape(16, NCHUNKS, 1, LCHUNK)
    dsts = dst_p.reshape(16, NCHUNKS, 1, LCHUNK)
    edges = jnp.concatenate([srcs, dsts], axis=2)
    dsts32 = dst_p.reshape(2, 16, DEG_CHUNKS, CHUNK)

    ones_pat = jnp.ones((CHUNK, DIN), jnp.float32)
    zeros_slab = jnp.zeros((ROWS_PER_TILE, DIN), jnp.float32)

    deg_parts = _sc_deg(dsts32, ones_pat, zeros_slab)
    u0, dis = _tc_prescale(x, deg_parts)
    agg1 = _sc_lap(u0, edges, zeros_slab)
    u1 = _tc_mid(agg1[:, :N], dis)
    agg2 = _sc_lap(u1, edges, zeros_slab)
    return _tc_final(x, agg1[:, :N], agg2[:, :N], dis, W_cheb, b_cheb,
                     W_lin, b_lin)

# --- scband reference (transcript-rebuilt; emitter-appended) ---
"""Pipeline reference for scband-stgcnlayer-65189013619314 (READ-ONLY COPY).

The authoritative reference and input builder live on the scoring server;
editing this copy changes nothing except your own understanding.
"""

import jax, jax.numpy as jnp
import numpy as np

B = 4
N = 10000
E = 320000
DIN = 128
DOUT = 128
K = 3


def setup_inputs(seed: int = 0) -> dict:
    key = jax.random.key(seed)
    k1, k2, k3, k4 = jax.random.split(key, 4)
    x = jax.random.normal(k1, (B, N, DIN), dtype=jnp.float32)
    edge_index = jax.random.randint(k2, (2, E), 0, N, dtype=jnp.int32)
    # ChebConv params (DGL-style: single linear over K stacked Chebyshev features)
    W_cheb = jax.random.normal(k3, (K * DIN, DOUT), dtype=jnp.float32) * 0.05
    b_cheb = jnp.zeros((DOUT,), dtype=jnp.float32)
    # outer nn.Linear(out_channels, in_channels)
    W_lin = jax.random.normal(k4, (DOUT, DIN), dtype=jnp.float32) * 0.05
    b_lin = jnp.zeros((DIN,), dtype=jnp.float32)
    return {"x": x, "edge_index": edge_index, "W_cheb": W_cheb,
            "b_cheb": b_cheb, "W_lin": W_lin, "b_lin": b_lin}


def reference(x, edge_index, W_cheb, b_cheb, W_lin, b_lin):
    src = edge_index[0]
    dst = edge_index[1]
    # symmetric normalization with in-degrees (DGL ChebConv convention)
    deg = jnp.zeros((N,), dtype=jnp.float32).at[dst].add(1.0)
    d_inv_sqrt = jnp.where(deg > 0, 1.0 / jnp.sqrt(jnp.maximum(deg, 1.0)), 0.0)

    def lap(h):
        # \hat{L} h with lambda_max=2: \hat{L} = L - I = -D^{-1/2} A D^{-1/2}
        m = h[src] * d_inv_sqrt[src][:, None]
        agg = jnp.zeros_like(h).at[dst].add(m)
        return -(agg * d_inv_sqrt[:, None])

    outputs = []
    for i in range(B):
        h0 = x[i]
        Ts = [h0]
        if K > 1:
            Ts.append(lap(h0))
        for _k in range(2, K):
            Ts.append(2.0 * lap(Ts[-1]) - Ts[-2])
        z = jnp.concatenate(Ts, axis=-1)  # [N, K*DIN]
        out_graph = z @ W_cheb + b_cheb
        out_graph = jax.nn.relu(out_graph)
        out_graph = out_graph @ W_lin + b_lin
        outputs.append(out_graph[None])
    return jnp.concatenate(outputs, axis=0)

if __name__ == "__main__":
    import jax
    _d = setup_inputs()
    print(jax.jit(kernel)(*tuple(_d.values())))

</pallas_src>

<mosaic_0001>
#map = affine_map<(d0, d1) -> (0, 0, 0, 0)>
#map1 = affine_map<(d0, d1) -> (0, 0)>
#map2 = affine_map<(d0, d1) -> (0, 0, 0)>
module attributes {stable_mosaic.version = 14 : i64} {
  func.func @_sc_deg_body(%arg0: i32, %arg1: i32, %arg2: memref<2x16x80x128xi32, #tpu.memory_space<hbm>>, %arg3: memref<128x128xf32, #tpu.memory_space<hbm>>, %arg4: memref<640x128xf32, #tpu.memory_space<hbm>>, %arg5: memref<2x10240x128xf32, #tpu.memory_space<hbm>>, %arg6: memref<80x128xi32, #tpu.memory_space<vmem>>, %arg7: memref<128x128xf32, #tpu.memory_space<vmem>>, %arg8: memref<10240x128xf32, #tpu.memory_space<vmem_shared>>, %arg9: memref<!tpu.dma_semaphore, #tpu.memory_space<semaphore_mem>>) attributes {dimension_semantics = [#tpu.dimension_semantics<core_parallel>, #tpu.dimension_semantics<subcore_parallel>], iteration_bounds = array<i64: 2, 16>, scalar_prefetch = 0 : i64, scratch_operands = 4 : i64, tpu.core_type = #tpu.core_type<sc_vector_subcore>, window_params = [{transform_indices = #map}, {transform_indices = #map1}, {transform_indices = #map1}, {transform_indices = #map2}]} {
    "tpu.region"() ({
      %run_scoped3A = tpu.sem_alloc : memref<!tpu.dma_semaphore, #tpu.memory_space<semaphore_mem>>
      %dma_start3A = arith.constant 0 : i32
      %dma_start3A_10 = arith.constant 0 : i32
      %dma_start3A_11 = arith.constant 0 : i32
      %dma_start3A_12 = tpu.memref_slice %arg2[%arg0, %dma_start3A, %dma_start3A_10, %dma_start3A_11] : memref<2x16x80x128xi32, #tpu.memory_space<hbm>> -> memref<1x16x80x128xi32, #tpu.memory_space<hbm>>
      %dma_start3A_13 = tpu.memref_squeeze %dma_start3A_12 : memref<1x16x80x128xi32, #tpu.memory_space<hbm>> -> memref<16x80x128xi32, #tpu.memory_space<hbm>>
      %dma_start3A_14 = arith.constant 0 : i32
      %dma_start3A_15 = arith.constant 0 : i32
      %dma_start3A_16 = tpu.memref_slice %dma_start3A_13[%arg1, %dma_start3A_14, %dma_start3A_15] : memref<16x80x128xi32, #tpu.memory_space<hbm>> -> memref<1x80x128xi32, #tpu.memory_space<hbm>>
      %dma_start3A_17 = tpu.memref_squeeze %dma_start3A_16 : memref<1x80x128xi32, #tpu.memory_space<hbm>> -> memref<80x128xi32, #tpu.memory_space<hbm>>
      %dma_start3A_18 = arith.constant 0 : i32
      %dma_start3A_19 = arith.constant 0 : i32
      %dma_start3A_20 = arith.constant 0 : i32
      %dma_start3A_21 = tpu.memref_slice %arg2[%arg0, %dma_start3A_18, %dma_start3A_19, %dma_start3A_20] : memref<2x16x80x128xi32, #tpu.memory_space<hbm>> -> memref<1x16x80x128xi32, #tpu.memory_space<hbm>>
      %dma_start3A_22 = tpu.memref_squeeze %dma_start3A_21 : memref<1x16x80x128xi32, #tpu.memory_space<hbm>> -> memref<16x80x128xi32, #tpu.memory_space<hbm>>
      %dma_start3A_23 = arith.constant 0 : i32
      %dma_start3A_24 = arith.constant 0 : i32
      %dma_start3A_25 = tpu.memref_slice %dma_start3A_22[%arg1, %dma_start3A_23, %dma_start3A_24] : memref<16x80x128xi32, #tpu.memory_space<hbm>> -> memref<1x80x128xi32, #tpu.memory_space<hbm>>
      %dma_start3A_26 = tpu.memref_squeeze %dma_start3A_25 : memref<1x80x128xi32, #tpu.memory_space<hbm>> -> memref<80x128xi32, #tpu.memory_space<hbm>>
      tpu.enqueue_dma source(%dma_start3A_26 : memref<80x128xi32, #tpu.memory_space<hbm>>) target(%arg6 : memref<80x128xi32, #tpu.memory_space<vmem>>) target_semaphore(%run_scoped3A : memref<!tpu.dma_semaphore, #tpu.memory_space<semaphore_mem>>)
      %dma_wait3A = arith.constant 0 : i32
      %dma_wait3A_27 = arith.constant 0 : i32
      %dma_wait3A_28 = arith.constant 0 : i32
      %dma_wait3A_29 = tpu.memref_slice %arg2[%arg0, %dma_wait3A, %dma_wait3A_27, %dma_wait3A_28] : memref<2x16x80x128xi32, #tpu.memory_space<hbm>> -> memref<1x16x80x128xi32, #tpu.memory_space<hbm>>
      %dma_wait3A_30 = tpu.memref_squeeze %dma_wait3A_29 : memref<1x16x80x128xi32, #tpu.memory_space<hbm>> -> memref<16x80x128xi32, #tpu.memory_space<hbm>>
      %dma_wait3A_31 = arith.constant 0 : i32
      %dma_wait3A_32 = arith.constant 0 : i32
      %dma_wait3A_33 = tpu.memref_slice %dma_wait3A_30[%arg1, %dma_wait3A_31, %dma_wait3A_32] : memref<16x80x128xi32, #tpu.memory_space<hbm>> -> memref<1x80x128xi32, #tpu.memory_space<hbm>>
      %dma_wait3A_34 = tpu.memref_squeeze %dma_wait3A_33 : memref<1x80x128xi32, #tpu.memory_space<hbm>> -> memref<80x128xi32, #tpu.memory_space<hbm>>
      %dma_wait3A_35 = arith.constant 0 : i32
      %dma_wait3A_36 = arith.constant 0 : i32
      %dma_wait3A_37 = arith.constant 0 : i32
      %dma_wait3A_38 = tpu.memref_slice %arg2[%arg0, %dma_wait3A_35, %dma_wait3A_36, %dma_wait3A_37] : memref<2x16x80x128xi32, #tpu.memory_space<hbm>> -> memref<1x16x80x128xi32, #tpu.memory_space<hbm>>
      %dma_wait3A_39 = tpu.memref_squeeze %dma_wait3A_38 : memref<1x16x80x128xi32, #tpu.memory_space<hbm>> -> memref<16x80x128xi32, #tpu.memory_space<hbm>>
      %dma_wait3A_40 = arith.constant 0 : i32
      %dma_wait3A_41 = arith.constant 0 : i32
      %dma_wait3A_42 = tpu.memref_slice %dma_wait3A_39[%arg1, %dma_wait3A_40, %dma_wait3A_41] : memref<16x80x128xi32, #tpu.memory_space<hbm>> -> memref<1x80x128xi32, #tpu.memory_space<hbm>>
      %dma_wait3A_43 = tpu.memref_squeeze %dma_wait3A_42 : memref<1x80x128xi32, #tpu.memory_space<hbm>> -> memref<80x128xi32, #tpu.memory_space<hbm>>
      tpu.wait_dma2 semaphore(%run_scoped3A : memref<!tpu.dma_semaphore, #tpu.memory_space<semaphore_mem>>) src(%dma_wait3A_43 : memref<80x128xi32, #tpu.memory_space<hbm>>) dst(%arg6 : memref<80x128xi32, #tpu.memory_space<vmem>>)
      tpu.yield
    }) : () -> ()
    "tpu.region"() ({
      %run_scoped3A = tpu.sem_alloc : memref<!tpu.dma_semaphore, #tpu.memory_space<semaphore_mem>>
      tpu.enqueue_dma source(%arg3 : memref<128x128xf32, #tpu.memory_space<hbm>>) target(%arg7 : memref<128x128xf32, #tpu.memory_space<vmem>>) target_semaphore(%run_scoped3A : memref<!tpu.dma_semaphore, #tpu.memory_space<semaphore_mem>>)
      tpu.wait_dma2 semaphore(%run_scoped3A : memref<!tpu.dma_semaphore, #tpu.memory_space<semaphore_mem>>) src(%arg3 : memref<128x128xf32, #tpu.memory_space<hbm>>) dst(%arg7 : memref<128x128xf32, #tpu.memory_space<vmem>>)
      tpu.yield
    }) : () -> ()
    %mul3A = arith.constant 640 : i32
    %mul3A_0 = arith.muli %arg1, %mul3A : i32
    "tpu.region"() ({
      %run_scoped3A = tpu.sem_alloc : memref<!tpu.dma_semaphore, #tpu.memory_space<semaphore_mem>>
      %dma_start3A = arith.constant 0 : i32
      %dma_start3A_10 = tpu.memref_slice %arg8[%mul3A_0, %dma_start3A] : memref<10240x128xf32, #tpu.memory_space<vmem_shared>> -> memref<640x128xf32, #tpu.memory_space<vmem_shared>>
      tpu.enqueue_dma source(%arg4 : memref<640x128xf32, #tpu.memory_space<hbm>>) target(%dma_start3A_10 : memref<640x128xf32, #tpu.memory_space<vmem_shared>>) target_semaphore(%run_scoped3A : memref<!tpu.dma_semaphore, #tpu.memory_space<semaphore_mem>>)
      %dma_wait3A = arith.constant 0 : i32
      %dma_wait3A_11 = tpu.memref_slice %arg8[%mul3A_0, %dma_wait3A] : memref<10240x128xf32, #tpu.memory_space<vmem_shared>> -> memref<640x128xf32, #tpu.memory_space<vmem_shared>>
      tpu.wait_dma2 semaphore(%run_scoped3A : memref<!tpu.dma_semaphore, #tpu.memory_space<semaphore_mem>>) src(%arg4 : memref<640x128xf32, #tpu.memory_space<hbm>>) dst(%dma_wait3A_11 : memref<640x128xf32, #tpu.memory_space<vmem_shared>>)
      tpu.yield
    }) : () -> ()
    %barrier3A = arith.constant 0 : index
    tpu.barrier barrier_id(%barrier3A)
    %scan3A = arith.constant 0 : i32
    %scan3A_1 = arith.constant 80 : i32
    %scan3A_2 = arith.addi %scan3A, %scan3A_1 : i32
    %scan3A_3 = arith.constant 1 : i32
    scf.for %scan3A_10 = %scan3A to %scan3A_2 step %scan3A_3  : i32 {
      %mul3A_11 = arith.constant 1 : i32
      %mul3A_12 = arith.muli %scan3A_10, %mul3A_11 : i32
      %add3A = arith.constant 0 : i32
      %add3A_13 = arith.addi %add3A, %mul3A_12 : i32
      "tpu.region"() ({
        %run_scoped3A = tpu.sem_alloc : memref<!tpu.dma_semaphore, #tpu.memory_space<semaphore_mem>>
        %dma_start3A = arith.constant 0 : i32
        %dma_start3A_14 = tpu.memref_slice %arg6[%add3A_13, %dma_start3A] : memref<80x128xi32, #tpu.memory_space<vmem>> -> memref<1x128xi32, #tpu.memory_space<vmem>>
        %dma_start3A_15 = tpu.memref_squeeze %dma_start3A_14 : memref<1x128xi32, #tpu.memory_space<vmem>> -> memref<128xi32, #tpu.memory_space<vmem>>
        %dma_start3A_16 = arith.constant 0 : i32
        %dma_start3A_17 = arith.constant 0 : i32
        %dma_start3A_18 = tpu.memref_slice %arg8[%dma_start3A_16, %dma_start3A_17] : memref<10240x128xf32, #tpu.memory_space<vmem_shared>> -> memref<10240x128xf32, #tpu.memory_space<vmem_shared>>
        tpu.enqueue_indirect_dma source(%arg7 : memref<128x128xf32, #tpu.memory_space<vmem>>) target(%dma_start3A_18 : memref<10240x128xf32, #tpu.memory_space<vmem_shared>>) offsets(%dma_start3A_15 : memref<128xi32, #tpu.memory_space<vmem>>) semaphore(%run_scoped3A : memref<!tpu.dma_semaphore, #tpu.memory_space<semaphore_mem>>) {add = true}
        %dma_wait3A = arith.constant 0 : i32
        %dma_wait3A_19 = tpu.memref_slice %arg6[%add3A_13, %dma_wait3A] : memref<80x128xi32, #tpu.memory_space<vmem>> -> memref<1x128xi32, #tpu.memory_space<vmem>>
        %dma_wait3A_20 = tpu.memref_squeeze %dma_wait3A_19 : memref<1x128xi32, #tpu.memory_space<vmem>> -> memref<128xi32, #tpu.memory_space<vmem>>
        %dma_wait3A_21 = arith.constant 0 : i32
        %dma_wait3A_22 = arith.constant 0 : i32
        %dma_wait3A_23 = tpu.memref_slice %arg8[%dma_wait3A_21, %dma_wait3A_22] : memref<10240x128xf32, #tpu.memory_space<vmem_shared>> -> memref<10240x128xf32, #tpu.memory_space<vmem_shared>>
        tpu.wait_indirect_dma semaphore(%run_scoped3A : memref<!tpu.dma_semaphore, #tpu.memory_space<semaphore_mem>>) src(%arg7 : memref<128x128xf32, #tpu.memory_space<vmem>>) dst(%dma_wait3A_23 : memref<10240x128xf32, #tpu.memory_space<vmem_shared>>)
        tpu.yield
      }) : () -> ()
    }
    %scan3A_4 = arith.constant 80 : i32
    %barrier3A_5 = arith.constant 0 : index
    tpu.barrier barrier_id(%barrier3A_5)
    %mul3A_6 = arith.constant 640 : i32
    %mul3A_7 = arith.muli %arg1, %mul3A_6 : i32
    %mul3A_8 = arith.constant 640 : i32
    %mul3A_9 = arith.muli %arg1, %mul3A_8 : i32
    "tpu.region"() ({
      %run_scoped3A = tpu.sem_alloc : memref<!tpu.dma_semaphore, #tpu.memory_space<semaphore_mem>>
      %dma_start3A = arith.constant 0 : i32
      %dma_start3A_10 = arith.constant 0 : i32
      %dma_start3A_11 = tpu.memref_slice %arg5[%arg0, %dma_start3A, %dma_start3A_10] : memref<2x10240x128xf32, #tpu.memory_space<hbm>> -> memref<1x10240x128xf32, #tpu.memory_space<hbm>>
      %dma_start3A_12 = tpu.memref_squeeze %dma_start3A_11 : memref<1x10240x128xf32, #tpu.memory_space<hbm>> -> memref<10240x128xf32, #tpu.memory_space<hbm>>
      %dma_start3A_13 = arith.constant 0 : i32
      %dma_start3A_14 = tpu.memref_slice %dma_start3A_12[%mul3A_9, %dma_start3A_13] : memref<10240x128xf32, #tpu.memory_space<hbm>> -> memref<640x128xf32, #tpu.memory_space<hbm>>
      %dma_start3A_15 = arith.constant 0 : i32
      %dma_start3A_16 = tpu.memref_slice %arg8[%mul3A_7, %dma_start3A_15] : memref<10240x128xf32, #tpu.memory_space<vmem_shared>> -> memref<640x128xf32, #tpu.memory_space<vmem_shared>>
      tpu.enqueue_dma source(%dma_start3A_16 : memref<640x128xf32, #tpu.memory_space<vmem_shared>>) target(%dma_start3A_14 : memref<640x128xf32, #tpu.memory_space<hbm>>) target_semaphore(%run_scoped3A : memref<!tpu.dma_semaphore, #tpu.memory_space<semaphore_mem>>)
      %dma_wait3A = arith.constant 0 : i32
      %dma_wait3A_17 = arith.constant 0 : i32
      %dma_wait3A_18 = tpu.memref_slice %arg5[%arg0, %dma_wait3A, %dma_wait3A_17] : memref<2x10240x128xf32, #tpu.memory_space<hbm>> -> memref<1x10240x128xf32, #tpu.memory_space<hbm>>
      %dma_wait3A_19 = tpu.memref_squeeze %dma_wait3A_18 : memref<1x10240x128xf32, #tpu.memory_space<hbm>> -> memref<10240x128xf32, #tpu.memory_space<hbm>>
      %dma_wait3A_20 = arith.constant 0 : i32
      %dma_wait3A_21 = tpu.memref_slice %dma_wait3A_19[%mul3A_9, %dma_wait3A_20] : memref<10240x128xf32, #tpu.memory_space<hbm>> -> memref<640x128xf32, #tpu.memory_space<hbm>>
      %dma_wait3A_22 = arith.constant 0 : i32
      %dma_wait3A_23 = tpu.memref_slice %arg8[%mul3A_7, %dma_wait3A_22] : memref<10240x128xf32, #tpu.memory_space<vmem_shared>> -> memref<640x128xf32, #tpu.memory_space<vmem_shared>>
      tpu.wait_dma2 semaphore(%run_scoped3A : memref<!tpu.dma_semaphore, #tpu.memory_space<semaphore_mem>>) src(%dma_wait3A_23 : memref<640x128xf32, #tpu.memory_space<vmem_shared>>) dst(%dma_wait3A_21 : memref<640x128xf32, #tpu.memory_space<hbm>>)
      tpu.yield
    }) : () -> ()
    return
  }
}

</mosaic_0001>

<sc_bundles>
// kernel: _sc_deg.3.cloned.1.call-start
scs
__scs_entry_jumppad:
0x0: {  	(pc) =	sbr.rel $0x88, $3  }
0x1: {  	(tag) =	ssettag $0x0;
	lr =	simm.s32 $0x1  }
0x2: {  	[smem:$0x3F9E] =	sst lr;
	_ =	strace $0xD0000000  }
0x3: {  	_ = 	snop  }
0x4: {  	_ = 	snop  }
0x5: {  	_ = 	snop  }
0x6: {  	_ = 	snop  }
0x7: {  	_ = 	snop  }
__scs_overlays_trampoline_lowered:
0x8: {  	[smem:$0x3FAD] =	sst s0  }
0x9: {  	[smem:$0x3FAE] =	sst s1  }
0xa: {  	[smem:$0x3FAF] =	sst s2  }
0xb: {  	[smem:$0x3FB0] =	sst s3  }
0xc: {  	[smem:$0x3FB1] =	sst s4  }
0xd: {  	[smem:$0x3FB2] =	sst s5  }
0xe: {  	[smem:$0x3FB3] =	sst s6  }
0xf: {  	[smem:$0x3FB4] =	sst s7  }
0x10: {  	[smem:$0x3FB5] =	sst s8  }
0x11: {  	[smem:$0x3FB6] =	sst s9;
	s0 =	simm.s32 @!p0 $0x0  }
0x12: {  	s1 =	sld [smem:$0x3F9C];
	s0 =	simm.s32 @p0 $0x1  }
0x13: {  	[smem:$0x3FB7] =	sst s0;
	s0 =	simm.s32 @!p1 $0x0  }
0x14: {  	s2 =	sld [smem:$0x3F9B];
	s0 =	simm.s32 @p1 $0x1  }
0x15: {  	[smem:$0x3FB8] =	sst s0;
	s0 =	simm.s32 @!p2 $0x0  }
0x16: {  	s3 =	sld [smem:$0x3FDB];
	s0 =	simm.s32 @p2 $0x1  }
0x17: {  	s4 =	simm.s32 $0x1BF5;
	[smem:$0x3FBA] =	sst s0  }
0x18: {  	s0 =	sld [smem:$0x3F9D];
	_ =	swait.ge [sflag:s4], $0x0  }
0x19: {  	s7 =	sld [smem:$0x3F9E]  }
0x1a: {  	s8 =	sadd.s32 $0xFFFFE003, lr  }
0x1b: {  	s9 =	sadd.s32 $0xFFFFFEF7, lr;
	s5 =	simm.s32 $0xFFFFFFFF;
	p2 =	slt.u32 s8, $0xFFFFF086  }
0x1c: {  	p1 =	slt.u32 s9, $0xF7A;
	s5 =	simm.s32 @!p2 $0x0  }
0x1d: {  	s5 =	simm.s32 @p1 $0x1;
	p0 =	seq.s32 s7, s2  }
0x1e: {  	s7 =	smul.u32 @!p0 $0xF7A, s2;
	p2 =	seq.s32 @!p0 s5, $0x0  }
0x1f: {  	s9 =	smul.u32 $0xF7A, s1;
	s8 =	simm.s32 @!p0 $0x1BF5;
	p2 =	por !p2, p0  }
0x20: {  	[sflag:s8] =	ssyncset.s32 @!p0 $0xFFFFF086;
	s6 =	sadd.s32 @!p0 s3, s7;
	s7 =	simm.s32 @!p0 $0x108  }
0x21: {  	s3 =	sadd.s32 s3, s9;
	s6 =	sadd.s32 @!p0 $0x88, s6;
	s7 =	simm.s32 @p2 $0x1082  }
0x22: {  	[simem:s7], [sflag:s8] =	dma.local @!p0 [hbm:s6], $0xF7A  }
0x23: {  	s9 =	sor.u32 $0xD0000000, s2;
	s6 =	simm.s32 $0x108;
	_ =	swait.ge @!p0 [sflag:s8], $0x0  }
0x24: {  	s3 =	sadd.s32 $0x88, s3;
	s6 =	simm.s32 @!p1 $0x1082;
	[sflag:s4] =	ssyncset.s32 $0xFFFFF086  }
0x25: {  	[simem:s6], [sflag:s4] =	dma.local [hbm:s3], $0xF7A  }
0x26: {  	[smem:$0x3F9E] =	sst s1;
	(tag) =	ssettag s2;
	_ =	strace s9  }
0x27: {  	s1 =	sld [smem:$0x3FAE]  }
0x28: {  	s2 =	sld [smem:$0x3FAF]  }
0x29: {  	s4 =	sld [smem:$0x3FB1]  }
0x2a: {  	p0 =	seq.s32 s5, $0x0;
	s5 =	sld [smem:$0x3FB2]  }
0x2b: {  	s6 =	sld [smem:$0x3FB3]  }
0x2c: {  	s7 =	sld [smem:$0x3FB4]  }
0x2d: {  	s3 =	simm.s32 $0x108;
	s8 =	sld [smem:$0x3FB5]  }
0x2e: {  	s3 =	simm.s32 @!p0 $0x1082;
	s9 =	sld [smem:$0x3FB6]  }
0x2f: {  	lr =	sadd.s32 s0, s3;
	s0 =	sld [smem:$0x3FAD]  }
0x30: {  	s3 =	sld [smem:$0x3FB0]  }
0x31: {  	[smem:$0x3FB9] =	sst s10  }
0x32: {  	s10 =	sld [smem:$0x3FB7];
	_ =	sdelay $0x3  }
0x33: {  	p0 =	seq.s32 s10, $0x1;
	s10 =	sld [smem:$0x3FB9];
	_ =	sdelay $0x3  }
0x34: {  	[smem:$0x3FB9] =	sst s10  }
0x35: {  	s10 =	sld [smem:$0x3FB8];
	_ =	sdelay $0x3  }
0x36: {  	p1 =	seq.s32 s10, $0x1;
	s10 =	sld [smem:$0x3FB9];
	_ =	sdelay $0x3  }
0x37: {  	[smem:$0x3FB9] =	sst s10  }
0x38: {  	s10 =	sld [smem:$0x3FBA]  }
0x39: {  	_ = 	snop;
	(pc) =	sbr.ind lr, $3  }
0x3a: {  	_ = 	snop  }
0x3b: {  	_ = 	snop  }
0x3c: {  	p2 =	seq.s32 s10, $0x1;
	s10 =	sld [smem:$0x3FB9]  }
0x3d: {  	_ =	shalt  }
0x3e: {  	_ =	shalt  }
0x3f: {  	_ =	shalt  }
0x40: {  	_ =	shalt  }
0x41: {  	_ =	shalt  }
0x42: {  	_ =	shalt  }
0x43: {  	_ =	shalt  }
0x44: {  	_ =	shalt  }
0x45: {  	_ =	shalt  }
0x46: {  	_ =	shalt  }
0x47: {  	_ =	shalt  }
0x48: {  	_ =	shalt  }
0x49: {  	_ =	shalt  }
0x4a: {  	_ =	shalt  }
0x4b: {  	_ =	shalt  }
0x4c: {  	_ =	shalt  }
0x4d: {  	_ =	shalt  }
0x4e: {  	_ =	shalt  }
0x4f: {  	_ =	shalt  }
0x50: {  	_ =	shalt  }
0x51: {  	_ =	shalt  }
0x52: {  	_ =	shalt  }
0x53: {  	_ =	shalt  }
0x54: {  	_ =	shalt  }
0x55: {  	_ =	shalt  }
0x56: {  	_ =	shalt  }
0x57: {  	_ =	shalt  }
0x58: {  	_ =	shalt  }
0x59: {  	_ =	shalt  }
0x5a: {  	_ =	shalt  }
0x5b: {  	_ =	shalt  }
0x5c: {  	_ =	shalt  }
0x5d: {  	_ =	shalt  }
0x5e: {  	_ =	shalt  }
0x5f: {  	_ =	shalt  }
0x60: {  	_ =	shalt  }
0x61: {  	_ =	shalt  }
0x62: {  	_ =	shalt  }
0x63: {  	_ =	shalt  }
0x64: {  	_ =	shalt  }
0x65: {  	_ =	shalt  }
0x66: {  	_ =	shalt  }
0x67: {  	_ =	shalt  }
0x68: {  	_ =	shalt  }
0x69: {  	_ =	shalt  }
0x6a: {  	_ =	shalt  }
0x6b: {  	_ =	shalt  }
0x6c: {  	_ =	shalt  }
0x6d: {  	_ =	shalt  }
0x6e: {  	_ =	shalt  }
0x6f: {  	_ =	shalt  }
0x70: {  	_ =	shalt  }
0x71: {  	_ =	shalt  }
0x72: {  	_ =	shalt  }
0x73: {  	_ =	shalt  }
0x74: {  	_ =	shalt  }
0x75: {  	_ =	shalt  }
0x76: {  	_ =	shalt  }
0x77: {  	_ =	shalt  }
0x78: {  	_ =	shalt  }
0x79: {  	_ =	shalt  }
0x7a: {  	_ =	shalt  }
0x7b: {  	_ =	shalt  }
0x7c: {  	_ =	shalt  }
0x7d: {  	_ =	shalt  }
0x7e: {  	_ =	shalt  }
0x7f: {  	_ =	shalt  }
0x80: {  	_ =	shalt  }
0x81: {  	_ =	shalt  }
0x82: {  	_ =	shalt  }
0x83: {  	_ =	shalt  }
0x84: {  	_ =	shalt  }
0x85: {  	_ =	shalt  }
0x86: {  	_ =	shalt  }
0x87: {  	_ =	shalt  }
.Lfunc_end0:
.L_simem_size_0:
called_computation_lowered:
.L_overlay_start_0:
0x88: {  	s2 =	sld [smem:$0x3FD9]  }
0x89: {  	s3 =	sld [smem:$0x3FFE];
	_ =	sdelay $0x1  }
0x8a: {  	s1 =	srdreg.scid  }
0x8b: {  	s0 =	sand.u32 $0x1, s1  }
0x8c: {  	s18 =	sshll.u32 s0, $0xA;
	s2 =	sadd.s32 s3, s2  }
0x8d: {  	s2 =	sadd.s32 s2, s18  }
0x8e: {  	[smem:$0x3FC5] =	sst s2  }
0x8f: {  	_ = 	snop  }
0x90: {  	s2 =	sld [smem:$0x3FC9]  }
0x91: {  	s19 =	sld [smem:$0x3FC8]  }
0x92: {  	s4 =	sld [smem:$0x3FC7]  }
0x93: {  	s5 =	sld [smem:$0x3FD0];
	(tm) =	ssettm $0x1  }
0x94: {  	s6 =	sld [smem:$0x3FFB];
	_ =	sdelay $0x3  }
0x95: {  	_ =	strace s6  }
0x96: {  	s6 =	sld [smem:$0x3FFC];
	_ =	sdelay $0x3  }
0x97: {  	_ =	strace s6  }
0x98: {  	s6 =	sld [smem:$0x3FFD];
	_ =	sdelay $0x3  }
0x99: {  	_ =	strace s6  }
0x9a: {  	_ =	strace $0x8FFFFFFF  }
0x9b: {  	s20 =	sld [smem:$0x3FDB];
	_ =	sdelay $0x1  }
0x9c: {  	s7 =	simm.s32 $_scs_section_size  }
0x9d: {  	s8 =	simm.s32 $_size__tile_overlayer_lowered;
	s9 =	simm.s32 $_tile_overlayer_lowered  }
0x9e: {  	s23 =	simm.s32 $0x1BFF;
	s22 =	sshll.u32 s9, $0x1;
	s6 =	sadd.s32 s7, s20  }
0x9f: {  	s10 =	simm.s32 $0x0;
	s21 =	sshll.u32 s8, $0x1;
	s8 =	sadd.s32 s22, s6  }
0xa0: {  	[timem:s10], [sflag:s23] =	dma.local [hbm:s8], s21  }
0xa1: {  	_ =	swait.ge [sflag:s23], s21  }
0xa2: {  	s7 =	ssub.s32 $0x0, s21;
	[sflag:s23] =	ssyncset.done $0x0  }
0xa3: {  	[sflag:s23] =	ssyncadd.s32 s7;
	_ =	sdelay $0x1  }
0xa4: {  	s24 =	simm.s32 $0x1B8B  }
0xa5: {  	_ =	swait.ge [sflag:s24], $0x1  }
0xa6: {  	[sflag:s24] =	ssyncset.done $0x0  }
0xa7: {  	s25 =	simm.s32 $0x1B8E;
	[sflag:s24] =	ssyncadd.s32 $0xFFFFFFFF  }
0xa8: {  	s26 =	simm.s32 $execute0_lowered;
	[smem:$0x3FD2] =	sst s25  }
0xa9: {  	s7 =	sshll.u32 s26, $0x1;
	_ =	strace $0x80000046;
	[dreg:$0x1] =	wrdreg $0xFFFFFFFF  }
0xaa: {  	s28 =	simm.s32 $_size_execute0_lowered;
	s6 =	sadd.s32 s6, s7;
	[dreg:$0x0] =	wrdreg $0x0  }
0xab: {  	s7 =	sshll.u32 s28, $0x1;
	[dreg:$0x2] =	wrdreg s6  }
0xac: {  	[dreg:$0x3] =	wrdreg s7  }
0xad: {  	[dreg:$0x4] =	wrdreg $0xC0  }
0xae: {  	_ =	task [dreg:s10], $0x5FFFF  }
0xaf: {  	[dreg:$0x1] =	wrdreg $0xFFFFFFFF  }
0xb0: {  	[dreg:$0x0] =	wrdreg $0x60  }
0xb1: {  	[dreg:$0x2] =	wrdreg s2  }
0xb2: {  	[dreg:$0x3] =	wrdreg s19  }
0xb3: {  	[dreg:$0x4] =	wrdreg s4  }
0xb4: {  	[dreg:$0x5] =	wrdreg s5  }
0xb5: {  	[dreg:$0x6] =	wrdreg $0x68000  }
0xb6: {  	[dreg:$0x7] =	wrdreg $0x9  }
0xb7: {  	_ =	task.clear_ibuf [dreg:s10], $0x8FFFF;
	_ =	strace $0x90000046  }
0xb8: {  	s29 =	simm.s32 $0x9;
	_ =	strace $0x80000048  }
0xb9: {  	_ =	swait.ge [sflag:s29], $0x1  }
0xba: {  	[sflag:s29] =	ssyncadd.s32 $0xFFFFFFFF  }
0xbb: {  	_ =	strace $0x90000048  }
0xbc: {  	_ =	sfence  }
0xbd: {  	s30 =	sld [smem:$0x0];
	_ =	sdelay $0x2  }
0xbe: {  	s31 =	sshll.u32 s1, $0xD;
	s1 =	sshrl.u32 s1, $0x2  }
0xbf: {  	s3 =	sand.u32 $0x4000, s31;
	s1 =	sadd.s32 s1, s30  }
0xc0: {  	s0 =	sor.u32 s3, s0;
	s1 =	sshll.u32 s1, $0x11  }
0xc1: {  	s0 =	sor.u32 s1, s0  }
0xc2: {  	s0 =	sadd.s32 $0x8F2B, s0  }
0xc3: {  	[sflag:s0] =	ssyncadd.remote.s32 $0x1  }
0xc4: {  	_ =	sfence.sel $0xFFFF  }
0xc5: {  	[dreg:$0x0] =	wrdreg $0xFFFFFFFF;
	(pc) =	sbr.abs _section_cstart, $3  }
0xc6: {  	[dreg:$0x1] =	wrdreg $0xFFFFFFFF  }
0xc7: {  	_ =	task.clear_ibuf [dreg:s10], $0x2FFFF;
	_ =	strace $0x9FFFFFFF  }
0xc8: {  	(tm) =	ssettm $0x7FFFFFFF  }
0xc9: {  	_ =	shalt  }
tec
execute0_lowered:
.L_overlay_start_1:
0x0: {  	(tag) =	ssettag $0x1  }
0x1: {  	s6 =	rddreg [dreg:$0x0]  }
0x2: {  	s1 =	rddreg [dreg:$0x1]  }
0x3: {  	s2 =	rddreg [dreg:$0x2];
	s4 =	srdreg.scid  }
0x4: {  	s7 =	rddreg [dreg:$0x3];
	s8 =	sand.u32 $0x1, s4  }
0x5: {  	s4 =	stileid.u32;
	s9 =	smul.u32 $0x5000, s8  }
0x6: {  	s3 =	rddreg [dreg:$0x4];
	s10 =	smul.u32 $0x500, s4  }
0x7: {  	s0 =	rddreg [dreg:$0x5];
	s5 =	simm.s32 $0x0;
	s12 =	smul.u32 $0x50000, s4  }
0x8: {  	[smem:$0x7FF] =	sst s5;
	s11 =	ssub.s32 $0x2, s8;
	s8 =	smul.u32 $0x28000, s8  }
0x9: {  	_ =	strace $0x80000047;
	s14 =	smul.u32 $0x2800, s4;
	s13 =	sshrl.u32 s11, $0x1  }
0xa: {  	s31 =	sshll.u32 s4, $0x6;
	s6 =	sadd.s32 s6, s9;
	s26 =	ssub.s32 s11, s13  }
0xb: {  	s28 =	sshrl.u32 s12, $0x2;
	s30 =	sadd.s32 s7, s8;
	s8 =	simm.s32 $0x1  }
0xc: {  	s9 =	simm.s32 $0x2800;
	s12 =	simm.s32 $0x80;
	s6 =	sadd.s32 s10, s6  }
0xd: {  	s29 =	sadd.s32 s28, s3;
	s7 =	smax.u32 s26, $0x1;
	s10 =	sor.u32 $0x1C01, s31  }
0xe: {  	s13 =	sadd.s32 s14, s30;
	s14 =	simm.s32 $0x0;
	s11 =	sshrl.u32 s29, $0x3  }
.LBB2_1:
0xf: {  	[tilespmem:s5], [sflag:$0x1] =	stream.linear.gather [hbm4b:s6+s5], $0x2800, $0x38;
	[tilespmem:$0x1A800] =	vst v63  }
0x10: {  	_ =	swait.ge [sflag:s8], $0x2800  }
0x11: {  	[sflag:s8] =	ssyncset.done $0x0  }
0x12: {  	[sflag:s8] =	ssyncadd.s32 $0xFFFFD800  }
0x13: {  	[tilespmem:s9], [sflag:$0x1] =	stream.linear.gather [hbm4b:s1+s5], $0x4000, $0x38;
	[tilespmem:$0x1A800] =	vst v63  }
0x14: {  	_ =	swait.ge [sflag:s8], $0x4000  }
0x15: {  	[sflag:s8] =	ssyncset.done $0x0  }
0x16: {  	[sflag:s8] =	ssyncadd.s32 $0xFFFFC000  }
0x17: {  	[spmem:s11], [sflag:s10] =	dma.local [hbm:s2], $0x2800  }
0x18: {  	_ =	swait.ge [sflag:s8], $0x2800  }
0x19: {  	[sflag:s8] =	ssyncset.done $0x0  }
0x1a: {  	[sflag:s8] =	ssyncadd.s32 $0xFFFFD800  }
0x1b: {  	s15 =	simm.s32 $0x0;
	[bflag:$0x0] =	sbarrier.arrive $0xFFFF  }
0x1c: {  	[spmem:s3] =	stream.indirect.scatter.add.f32 [tilespmem:s9], [sflag:$0x1], $0x80, s15, s12, $0xb8;
	[tilespmem:$0x1A800] =	vst v63  }
0x1d: {  	_ =	swait.ge [sflag:s8], $0x4000  }
0x1e: {  	s15 =	simm.s32 $0x200;
	[sflag:s8] =	ssyncset.done $0x0  }
.LBB2_2:
0x1f: {  	s16 =	sshra.s32 s15, $0x2;
	[sflag:s8] =	ssyncadd.s32 $0xFFFFC000;
	p0 =	sne.s32 s15, $0x9E00  }
0x20: {  	[spmem:s3] =	stream.indirect.scatter.add.f32 [tilespmem:s9], [sflag:$0x1], $0x80, s16, s12, $0xb8;
	[tilespmem:$0x1A800] =	vst v63  }
.Ltmp0:
0x21: {  	_ = 	snop;
	(pc) =	sbr.rel @p0 .LBB2_2-.Ltmp0, $4  }
0x22: {  	_ = 	snop  }
0x23: {  	s15 =	sadd.s32 $0x200, s15  }
0x24: {  	_ =	swait.ge [sflag:s8], $0x4000  }
0x25: {  	[sflag:s8] =	ssyncset.done $0x0  }
0x26: {  	s14 =	sadd.s32 $0x1, s14  }
0x27: {  	[sflag:s8] =	ssyncadd.s32 $0xFFFFC000;
	p0 =	sne.s32 s14, s7  }
.Ltmp1:
0x28: {  	[bflag:$0x0] =	sbarrier.arrive $0xFFFF;
	(pc) =	sbr.rel @p0 .LBB2_1-.Ltmp1, $4  }
0x29: {  	[hbm:s13], [sflag:s10] =	dma.local [spmem:s11], $0x2800  }
0x2a: {  	_ =	swait.ge [sflag:s8], $0x2800  }
0x2b: {  	[sflag:s8] =	ssyncset.done $0x0  }
0x2c: {  	[sflag:s8] =	ssyncadd.s32 $0xFFFFD800  }
0x2d: {  	_ =	sfence.sel $0x180000  }
0x2e: {  	[bflag:$0x0] =	sbarrier.arrive $0xFFFF  }
0x2f: {  	p0 =	sne.s32 s4, $0x0;
	_ =	strace $0x90000047  }
0x30: {  	s0 =	sadd.s32 @!p0 $0x100000, s0;
	[bflag:$0x2] =	sbarrier.arrive $0xFFFF  }
0x31: {  	[sflag:s0] =	ssyncadd.tile.s32 @!p0 $0x1;
	_ =	shalt  }
.Lfunc_end2:
_tile_overlayer_lowered:
.L_overlay_start_2:
0x32: {  	(tag) =	ssettag $0x2  }
0x33: {  	s0 =	rddreg [dreg:$0x0];
	s2 =	stileid.u32  }
0x34: {  	s1 =	rddreg [dreg:$0x1];
	p0 =	sne.s32 s2, $0x0  }
0x35: {  	s3 =	rddreg [dreg:$0x2];
	[bflag:$0x3] =	sbarrier.arrive $0xFFFF;
	s2 =	simm.s32 @!p0 $0x1C01  }
0x36: {  	[timem:s3], [sflag:s2] =	dma.local @!p0 [hbm:s0], s1  }
0x37: {  	s0 =	simm.s32 @!p0 $0x1  }
0x38: {  	_ =	swait.ge @!p0 [sflag:s0], s1  }
0x39: {  	s1 =	ssub.s32 @!p0 $0x0, s1;
	[sflag:s0] =	ssyncset.done @!p0 $0x0  }
0x3a: {  	[sflag:s0] =	ssyncadd.s32 @!p0 s1  }
0x3b: {  	[bflag:$0x3] =	sbarrier.arrive $0xFFFF  }
0x3c: {  	_ =	shalt  }

</sc_bundles>
